<compile_context>
chip_gen: v7x
topology: tpu7x:2x2x1
jax: 0.10.2.dev20260603
libtpu: 0.0.44.dev20260713+nightly
codegen_flags: <defaults>
</compile_context>

<pallas_src>
import functools

import jax
import jax.numpy as jnp
from jax.experimental import pallas as pl
from jax.experimental.pallas import tpu as pltpu

_T = 2048


def _rvq_body(x_ref, cb_ref, out_ref, aux_ref):
    t, d = x_ref.shape
    h = t // 2
    num_q, k, _ = cb_ref.shape
    iota = jax.lax.broadcasted_iota(jnp.int32, (h, k), 1).astype(jnp.float32)
    aux_total = jnp.float32(0.0)
    for s in range(2):
        aux_total += _rvq_half(
            x_ref, cb_ref, out_ref, iota, s * h, h, d, num_q, k
        )
    aux_ref[...] = jnp.reshape(aux_total, (1, 1, 1))


def _rvq_half(x_ref, cb_ref, out_ref, iota, base, h, d, num_q, k):
    x = x_ref[pl.ds(base, h), :]
    r = x
    qout = jnp.zeros_like(x)
    aux = jnp.float32(0.0)
    for q in range(num_q):
        cb = cb_ref[q]
        cbsq = jnp.sum(cb * cb, axis=-1)
        dot = jax.lax.dot_general(
            r, cb, (((1,), (1,)), ((), ())),
            preferred_element_type=jnp.float32,
            precision=jax.lax.Precision.DEFAULT,
        )
        rsq = jnp.sum(r * r, axis=-1, keepdims=True)
        dists = rsq - 2.0 * dot + cbsq[None, :]
        m = jnp.min(dists, axis=-1, keepdims=True)
        idx = jnp.min(
            jnp.where(dists <= m, iota, jnp.float32(k)), axis=-1, keepdims=True
        )
        onehot = (iota == idx).astype(jnp.bfloat16)
        cb_hi = cb.astype(jnp.bfloat16)
        cb_lo = (cb - cb_hi.astype(jnp.float32)).astype(jnp.bfloat16)
        cb_cat = jnp.concatenate([cb_hi, cb_lo], axis=1)
        quant_cat = jax.lax.dot_general(
            onehot, cb_cat, (((1,), (0,)), ((), ())),
            preferred_element_type=jnp.float32,
        )
        quant = quant_cat[:, :d] + quant_cat[:, d:]
        qout = qout + quant
        aux = aux + jnp.sum((quant - r) ** 2)
        r = r - quant
    out_ref[pl.ds(base, h), :] = qout
    return aux


@functools.partial(jax.jit, static_argnames=())
def kernel(faces, face_edges, codebooks):
    del face_edges
    b, n, d = faces.shape
    num_q, k, _ = codebooks.shape
    tokens = b * n
    flat = faces.reshape(tokens, d)
    grid = (tokens // _T,)
    quant, aux_partials = pl.pallas_call(
        _rvq_body,
        grid=grid,
        in_specs=[
            pl.BlockSpec((_T, d), lambda i: (i, 0)),
            pl.BlockSpec((num_q, k, d), lambda i: (0, 0, 0)),
        ],
        out_specs=[
            pl.BlockSpec((_T, d), lambda i: (i, 0)),
            pl.BlockSpec((1, 1, 1), lambda i: (i, 0, 0)),
        ],
        out_shape=[
            jax.ShapeDtypeStruct((tokens, d), jnp.float32),
            jax.ShapeDtypeStruct((grid[0], 1, 1), jnp.float32),
        ],
        compiler_params=pltpu.CompilerParams(
            dimension_semantics=("parallel",),
        ),
    )(flat, codebooks)
    aux_loss = jnp.sum(aux_partials) / jnp.float32(tokens * d)
    return quant.reshape(b, n, d), aux_loss

# --- scband reference (transcript-rebuilt; emitter-appended) ---
"""Pipeline reference for scband-mesh-autoencoder-24249385353526 (READ-ONLY COPY).

The authoritative reference and input builder live on the scoring server;
editing this copy changes nothing except your own understanding.
"""

import jax, jax.numpy as jnp
import numpy as np

B, N, D = 8, 16384, 64
Q, K = 2, 512


def setup_inputs(seed: int = 0) -> dict:
    key = jax.random.key(seed)
    k1, k2, k3 = jax.random.split(key, 3)
    faces = jax.random.normal(k1, (B, N, D), dtype=jnp.float32)
    face_edges = jax.random.randint(k2, (B, N, 2), 0, N, dtype=jnp.int32)
    # learned residual-VQ codebooks: [num_quantizers, codebook_size, dim]
    codebooks = jax.random.normal(k3, (Q, K, D), dtype=jnp.float32) * 0.02
    return {"faces": faces, "face_edges": face_edges, "codebooks": codebooks}


def reference(faces, face_edges, codebooks):
    # encode() is an identity stub in the provided module: encoded = faces
    x = faces
    b, n, d = x.shape
    flat = x.reshape(-1, d)
    residual = flat
    quantized_out = jnp.zeros_like(flat)
    aux_loss = jnp.float32(0.0)
    num_q = codebooks.shape[0]
    for q in range(num_q):
        cb = codebooks[q]  # [K, D]
        # squared L2 distances: ||r||^2 - 2 r.c + ||c||^2
        dists = (
            jnp.sum(residual * residual, axis=-1, keepdims=True)
            - 2.0 * residual @ cb.T
            + jnp.sum(cb * cb, axis=-1)[None, :]
        )
        idx = jnp.argmin(dists, axis=-1)  # [b*n]
        quant = jnp.take(cb, idx, axis=0)  # gather codes
        quantized_out = quantized_out + quant
        aux_loss = aux_loss + jnp.mean((jax.lax.stop_gradient(quant) - residual) ** 2)
        residual = residual - jax.lax.stop_gradient(quant)
    # straight-through estimator
    quantized = flat + jax.lax.stop_gradient(quantized_out - flat)
    quantized = quantized.reshape(b, n, d)
    # decode() is a stub; forward's quantized path returns the quantized codes
    return quantized, aux_loss

if __name__ == "__main__":
    import jax
    _d = setup_inputs()
    print(jax.jit(kernel)(*tuple(_d.values())))

</pallas_src>

<mosaic_0001>
module attributes {stable_mosaic.version = 14 : i64} {
  func.func @_rvq_body(%arg0: i32, %arg1: memref<2048x64xf32, #tpu.memory_space<vmem>>, %arg2: memref<2x512x64xf32, #tpu.memory_space<vmem>>, %arg3: memref<2048x64xf32, #tpu.memory_space<vmem>>, %arg4: memref<1x1x1xf32, #tpu.memory_space<vmem>>) attributes {dimension_semantics = [#tpu.dimension_semantics<parallel>], iteration_bounds = array<i64: 64>, scalar_prefetch = 0 : i64, scratch_operands = 0 : i64, tpu.core_type = #tpu.core_type<tc>, window_params = [{transform_indices = @transform_0, window_bounds = array<i64: 2048, 64>}, {pipeline_mode = #tpu.pipeline_mode<synchronous>, transform_indices = @transform_1, window_bounds = array<i64: 2, 512, 64>}, {transform_indices = @transform_2, window_bounds = array<i64: 2048, 64>}, {transform_indices = @transform_3, window_bounds = array<i64: 1, 1, 1>}]} {
    %iota3A = tpu.iota {dimensions = array<i32: 1>} : vector<1024x512xi32>
    %convert_element_type3A = arith.sitofp %iota3A : vector<1024x512xi32> to vector<1024x512xf32>
    %get3A = arith.constant 0 : index
    %get3A_0 = arith.constant 0 : index
    %get3A_1 = vector.load %arg1[%get3A, %get3A_0] : memref<2048x64xf32, #tpu.memory_space<vmem>>, vector<1024x64xf32>
    %broadcast_in_dim3A = arith.constant 0.000000e+00 : f32
    %broadcast_in_dim3A_2 = vector.broadcast %broadcast_in_dim3A : f32 to vector<1024x64xf32>
    %get3A_3 = arith.constant 0 : index
    %get3A_4 = arith.constant 0 : index
    %get3A_5 = arith.constant 0 : index
    %get3A_6 = vector.load %arg2[%get3A_3, %get3A_4, %get3A_5] : memref<2x512x64xf32, #tpu.memory_space<vmem>>, vector<1x512x64xf32>
    %get3A_7 = vector.shape_cast %get3A_6 : vector<1x512x64xf32> to vector<512x64xf32>
    %mul3A = arith.mulf %get3A_7, %get3A_7 : vector<512x64xf32>
    %reduce_sum3A = arith.constant dense<0.000000e+00> : vector<512xf32>
    %reduce_sum3A_8 = vector.multi_reduction <add>, %mul3A, %reduce_sum3A [1] : vector<512x64xf32> to vector<512xf32>
    %dot_general3A = arith.constant dense<0.000000e+00> : vector<1024x512xf32>
    %dot_general3A_9 = tpu.matmul %get3A_1, %get3A_7, %dot_general3A {dimension_numbers = #tpu.dot_dimension_numbers<[1], [1], [0], [0], [0, 0, 1, 0], [], []>, transpose_lhs_hint = false} : vector<1024x64xf32>, vector<512x64xf32>, vector<1024x512xf32> -> vector<1024x512xf32>
    %mul3A_10 = arith.mulf %get3A_1, %get3A_1 : vector<1024x64xf32>
    %reduce_sum3A_11 = arith.constant dense<0.000000e+00> : vector<1024xf32>
    %reduce_sum3A_12 = vector.multi_reduction <add>, %mul3A_10, %reduce_sum3A_11 [1] : vector<1024x64xf32> to vector<1024xf32>
    %broadcast_in_dim3A_13 = vector.shape_cast %reduce_sum3A_12 : vector<1024xf32> to vector<1024x1xf32>
    %mul3A_14 = arith.constant 2.000000e+00 : f32
    %mul3A_15 = vector.broadcast %mul3A_14 : f32 to vector<1024x512xf32>
    %mul3A_16 = arith.mulf %mul3A_15, %dot_general3A_9 : vector<1024x512xf32>
    %sub3A = vector.broadcast %broadcast_in_dim3A_13 : vector<1024x1xf32> to vector<1024x512xf32>
    %sub3A_17 = arith.subf %sub3A, %mul3A_16 : vector<1024x512xf32>
    %broadcast_in_dim3A_18 = vector.shape_cast %reduce_sum3A_8 : vector<512xf32> to vector<1x512xf32>
    %add3A = vector.broadcast %broadcast_in_dim3A_18 : vector<1x512xf32> to vector<1024x512xf32>
    %add3A_19 = arith.addf %sub3A_17, %add3A : vector<1024x512xf32>
    %reduce_min3A = arith.constant dense<0x7F800000> : vector<1024xf32>
    %reduce_min3A_20 = vector.multi_reduction <minimumf>, %add3A_19, %reduce_min3A [1] : vector<1024x512xf32> to vector<1024xf32>
    %broadcast_in_dim3A_21 = vector.shape_cast %reduce_min3A_20 : vector<1024xf32> to vector<1024x1xf32>
    %le3A = vector.broadcast %broadcast_in_dim3A_21 : vector<1024x1xf32> to vector<1024x512xf32>
    %le3A_22 = arith.cmpf ole, %add3A_19, %le3A : vector<1024x512xf32>
    %jit3A = arith.constant 5.120000e+02 : f32
    %broadcast_in_dim3A_23 = vector.broadcast %jit3A : f32 to vector<1024x512xf32>
    %select_n3A = arith.select %le3A_22, %convert_element_type3A, %broadcast_in_dim3A_23 : vector<1024x512xi1>, vector<1024x512xf32>
    %reduce_min3A_24 = arith.constant dense<0x7F800000> : vector<1024xf32>
    %reduce_min3A_25 = vector.multi_reduction <minimumf>, %select_n3A, %reduce_min3A_24 [1] : vector<1024x512xf32> to vector<1024xf32>
    %broadcast_in_dim3A_26 = vector.shape_cast %reduce_min3A_25 : vector<1024xf32> to vector<1024x1xf32>
    %eq3A = vector.broadcast %broadcast_in_dim3A_26 : vector<1024x1xf32> to vector<1024x512xf32>
    %eq3A_27 = arith.cmpf oeq, %convert_element_type3A, %eq3A : vector<1024x512xf32>
    %convert_element_type3A_28 = arith.extui %eq3A_27 : vector<1024x512xi1> to vector<1024x512xi32>
    %convert_element_type3A_29 = arith.sitofp %convert_element_type3A_28 : vector<1024x512xi32> to vector<1024x512xf32>
    %convert_element_type3A_30 = arith.truncf %convert_element_type3A_29 : vector<1024x512xf32> to vector<1024x512xbf16>
    %convert_element_type3A_31 = arith.truncf %get3A_7 : vector<512x64xf32> to vector<512x64xbf16>
    %convert_element_type3A_32 = arith.extf %convert_element_type3A_31 : vector<512x64xbf16> to vector<512x64xf32>
    %sub3A_33 = arith.subf %get3A_7, %convert_element_type3A_32 : vector<512x64xf32>
    %convert_element_type3A_34 = arith.truncf %sub3A_33 : vector<512x64xf32> to vector<512x64xbf16>
    %concatenate3A = tpu.concatenate %convert_element_type3A_31, %convert_element_type3A_34 in 1 : vector<512x64xbf16>, vector<512x64xbf16> -> vector<512x128xbf16>
    %dot_general3A_35 = arith.constant dense<0.000000e+00> : vector<1024x128xf32>
    %dot_general3A_36 = tpu.matmul %convert_element_type3A_30, %concatenate3A, %dot_general3A_35 {dimension_numbers = #tpu.dot_dimension_numbers<[1], [0], [0], [1], [0, 0, 1, 1], [], []>, transpose_lhs_hint = false} : vector<1024x512xbf16>, vector<512x128xbf16>, vector<1024x128xf32> -> vector<1024x128xf32>
    %slice3A = vector.extract_strided_slice %dot_general3A_36 {offsets = [0, 0], sizes = [1024, 64], strides = [1, 1]} : vector<1024x128xf32> to vector<1024x64xf32>
    %slice3A_37 = vector.extract_strided_slice %dot_general3A_36 {offsets = [0, 64], sizes = [1024, 64], strides = [1, 1]} : vector<1024x128xf32> to vector<1024x64xf32>
    %add3A_38 = arith.addf %slice3A, %slice3A_37 : vector<1024x64xf32>
    %add3A_39 = arith.addf %broadcast_in_dim3A_2, %add3A_38 : vector<1024x64xf32>
    %sub3A_40 = arith.subf %add3A_38, %get3A_1 : vector<1024x64xf32>
    %integer_pow3A = arith.mulf %sub3A_40, %sub3A_40 : vector<1024x64xf32>
    %reduce_sum3A_41 = vector.shape_cast %integer_pow3A : vector<1024x64xf32> to vector<1x1024x64xf32>
    %reduce_sum3A_42 = arith.constant dense<0.000000e+00> : vector<1xf32>
    %reduce_sum3A_43 = vector.multi_reduction <add>, %reduce_sum3A_41, %reduce_sum3A_42 [1, 2] : vector<1x1024x64xf32> to vector<1xf32>
    %reduce_sum3A_44 = vector.shape_cast %reduce_sum3A_43 : vector<1xf32> to vector<1x1x1xf32>
    %reduce_sum3A_45 = vector.extract %reduce_sum3A_44[0, 0, 0] : f32 from vector<1x1x1xf32>
    %add3A_46 = arith.constant 0.000000e+00 : f32
    %add3A_47 = arith.addf %add3A_46, %reduce_sum3A_45 : f32
    %sub3A_48 = arith.subf %get3A_1, %add3A_38 : vector<1024x64xf32>
    %get3A_49 = arith.constant 1 : index
    %get3A_50 = arith.constant 0 : index
    %get3A_51 = arith.constant 0 : index
    %get3A_52 = vector.load %arg2[%get3A_49, %get3A_50, %get3A_51] : memref<2x512x64xf32, #tpu.memory_space<vmem>>, vector<1x512x64xf32>
    %get3A_53 = vector.shape_cast %get3A_52 : vector<1x512x64xf32> to vector<512x64xf32>
    %mul3A_54 = arith.mulf %get3A_53, %get3A_53 : vector<512x64xf32>
    %reduce_sum3A_55 = arith.constant dense<0.000000e+00> : vector<512xf32>
    %reduce_sum3A_56 = vector.multi_reduction <add>, %mul3A_54, %reduce_sum3A_55 [1] : vector<512x64xf32> to vector<512xf32>
    %dot_general3A_57 = arith.constant dense<0.000000e+00> : vector<1024x512xf32>
    %dot_general3A_58 = tpu.matmul %sub3A_48, %get3A_53, %dot_general3A_57 {dimension_numbers = #tpu.dot_dimension_numbers<[1], [1], [0], [0], [0, 0, 1, 0], [], []>, transpose_lhs_hint = false} : vector<1024x64xf32>, vector<512x64xf32>, vector<1024x512xf32> -> vector<1024x512xf32>
    %mul3A_59 = arith.mulf %sub3A_48, %sub3A_48 : vector<1024x64xf32>
    %reduce_sum3A_60 = arith.constant dense<0.000000e+00> : vector<1024xf32>
    %reduce_sum3A_61 = vector.multi_reduction <add>, %mul3A_59, %reduce_sum3A_60 [1] : vector<1024x64xf32> to vector<1024xf32>
    %broadcast_in_dim3A_62 = vector.shape_cast %reduce_sum3A_61 : vector<1024xf32> to vector<1024x1xf32>
    %mul3A_63 = arith.constant 2.000000e+00 : f32
    %mul3A_64 = vector.broadcast %mul3A_63 : f32 to vector<1024x512xf32>
    %mul3A_65 = arith.mulf %mul3A_64, %dot_general3A_58 : vector<1024x512xf32>
    %sub3A_66 = vector.broadcast %broadcast_in_dim3A_62 : vector<1024x1xf32> to vector<1024x512xf32>
    %sub3A_67 = arith.subf %sub3A_66, %mul3A_65 : vector<1024x512xf32>
    %broadcast_in_dim3A_68 = vector.shape_cast %reduce_sum3A_56 : vector<512xf32> to vector<1x512xf32>
    %add3A_69 = vector.broadcast %broadcast_in_dim3A_68 : vector<1x512xf32> to vector<1024x512xf32>
    %add3A_70 = arith.addf %sub3A_67, %add3A_69 : vector<1024x512xf32>
    %reduce_min3A_71 = arith.constant dense<0x7F800000> : vector<1024xf32>
    %reduce_min3A_72 = vector.multi_reduction <minimumf>, %add3A_70, %reduce_min3A_71 [1] : vector<1024x512xf32> to vector<1024xf32>
    %broadcast_in_dim3A_73 = vector.shape_cast %reduce_min3A_72 : vector<1024xf32> to vector<1024x1xf32>
    %le3A_74 = vector.broadcast %broadcast_in_dim3A_73 : vector<1024x1xf32> to vector<1024x512xf32>
    %le3A_75 = arith.cmpf ole, %add3A_70, %le3A_74 : vector<1024x512xf32>
    %jit3A_76 = arith.constant 5.120000e+02 : f32
    %broadcast_in_dim3A_77 = vector.broadcast %jit3A_76 : f32 to vector<1024x512xf32>
    %select_n3A_78 = arith.select %le3A_75, %convert_element_type3A, %broadcast_in_dim3A_77 : vector<1024x512xi1>, vector<1024x512xf32>
    %reduce_min3A_79 = arith.constant dense<0x7F800000> : vector<1024xf32>
    %reduce_min3A_80 = vector.multi_reduction <minimumf>, %select_n3A_78, %reduce_min3A_79 [1] : vector<1024x512xf32> to vector<1024xf32>
    %broadcast_in_dim3A_81 = vector.shape_cast %reduce_min3A_80 : vector<1024xf32> to vector<1024x1xf32>
    %eq3A_82 = vector.broadcast %broadcast_in_dim3A_81 : vector<1024x1xf32> to vector<1024x512xf32>
    %eq3A_83 = arith.cmpf oeq, %convert_element_type3A, %eq3A_82 : vector<1024x512xf32>
    %convert_element_type3A_84 = arith.extui %eq3A_83 : vector<1024x512xi1> to vector<1024x512xi32>
    %convert_element_type3A_85 = arith.sitofp %convert_element_type3A_84 : vector<1024x512xi32> to vector<1024x512xf32>
    %convert_element_type3A_86 = arith.truncf %convert_element_type3A_85 : vector<1024x512xf32> to vector<1024x512xbf16>
    %convert_element_type3A_87 = arith.truncf %get3A_53 : vector<512x64xf32> to vector<512x64xbf16>
    %convert_element_type3A_88 = arith.extf %convert_element_type3A_87 : vector<512x64xbf16> to vector<512x64xf32>
    %sub3A_89 = arith.subf %get3A_53, %convert_element_type3A_88 : vector<512x64xf32>
    %convert_element_type3A_90 = arith.truncf %sub3A_89 : vector<512x64xf32> to vector<512x64xbf16>
    %concatenate3A_91 = tpu.concatenate %convert_element_type3A_87, %convert_element_type3A_90 in 1 : vector<512x64xbf16>, vector<512x64xbf16> -> vector<512x128xbf16>
    %dot_general3A_92 = arith.constant dense<0.000000e+00> : vector<1024x128xf32>
    %dot_general3A_93 = tpu.matmul %convert_element_type3A_86, %concatenate3A_91, %dot_general3A_92 {dimension_numbers = #tpu.dot_dimension_numbers<[1], [0], [0], [1], [0, 0, 1, 1], [], []>, transpose_lhs_hint = false} : vector<1024x512xbf16>, vector<512x128xbf16>, vector<1024x128xf32> -> vector<1024x128xf32>
    %slice3A_94 = vector.extract_strided_slice %dot_general3A_93 {offsets = [0, 0], sizes = [1024, 64], strides = [1, 1]} : vector<1024x128xf32> to vector<1024x64xf32>
    %slice3A_95 = vector.extract_strided_slice %dot_general3A_93 {offsets = [0, 64], sizes = [1024, 64], strides = [1, 1]} : vector<1024x128xf32> to vector<1024x64xf32>
    %add3A_96 = arith.addf %slice3A_94, %slice3A_95 : vector<1024x64xf32>
    %add3A_97 = arith.addf %add3A_39, %add3A_96 : vector<1024x64xf32>
    %sub3A_98 = arith.subf %add3A_96, %sub3A_48 : vector<1024x64xf32>
    %integer_pow3A_99 = arith.mulf %sub3A_98, %sub3A_98 : vector<1024x64xf32>
    %reduce_sum3A_100 = vector.shape_cast %integer_pow3A_99 : vector<1024x64xf32> to vector<1x1024x64xf32>
    %reduce_sum3A_101 = arith.constant dense<0.000000e+00> : vector<1xf32>
    %reduce_sum3A_102 = vector.multi_reduction <add>, %reduce_sum3A_100, %reduce_sum3A_101 [1, 2] : vector<1x1024x64xf32> to vector<1xf32>
    %reduce_sum3A_103 = vector.shape_cast %reduce_sum3A_102 : vector<1xf32> to vector<1x1x1xf32>
    %reduce_sum3A_104 = vector.extract %reduce_sum3A_103[0, 0, 0] : f32 from vector<1x1x1xf32>
    %add3A_105 = arith.addf %add3A_47, %reduce_sum3A_104 : f32
    %swap3A = arith.constant 0 : index
    %swap3A_106 = arith.constant 0 : index
    %swap3A_107 = vector.load %arg3[%swap3A, %swap3A_106] : memref<2048x64xf32, #tpu.memory_space<vmem>>, vector<1024x64xf32>
    tpu.vector_store %arg3[%swap3A, %swap3A_106], %add3A_97 {strides = array<i32>} : memref<2048x64xf32, #tpu.memory_space<vmem>>, vector<1024x64xf32>,
    %add3A_108 = arith.constant 0.000000e+00 : f32
    %add3A_109 = arith.addf %add3A_108, %add3A_105 : f32
    %get3A_110 = arith.constant 1024 : index
    %get3A_111 = arith.constant 0 : index
    %get3A_112 = vector.load %arg1[%get3A_110, %get3A_111] : memref<2048x64xf32, #tpu.memory_space<vmem>>, vector<1024x64xf32>
    %broadcast_in_dim3A_113 = arith.constant 0.000000e+00 : f32
    %broadcast_in_dim3A_114 = vector.broadcast %broadcast_in_dim3A_113 : f32 to vector<1024x64xf32>
    %get3A_115 = arith.constant 0 : index
    %get3A_116 = arith.constant 0 : index
    %get3A_117 = arith.constant 0 : index
    %get3A_118 = vector.load %arg2[%get3A_115, %get3A_116, %get3A_117] : memref<2x512x64xf32, #tpu.memory_space<vmem>>, vector<1x512x64xf32>
    %get3A_119 = vector.shape_cast %get3A_118 : vector<1x512x64xf32> to vector<512x64xf32>
    %mul3A_120 = arith.mulf %get3A_119, %get3A_119 : vector<512x64xf32>
    %reduce_sum3A_121 = arith.constant dense<0.000000e+00> : vector<512xf32>
    %reduce_sum3A_122 = vector.multi_reduction <add>, %mul3A_120, %reduce_sum3A_121 [1] : vector<512x64xf32> to vector<512xf32>
    %dot_general3A_123 = arith.constant dense<0.000000e+00> : vector<1024x512xf32>
    %dot_general3A_124 = tpu.matmul %get3A_112, %get3A_119, %dot_general3A_123 {dimension_numbers = #tpu.dot_dimension_numbers<[1], [1], [0], [0], [0, 0, 1, 0], [], []>, transpose_lhs_hint = false} : vector<1024x64xf32>, vector<512x64xf32>, vector<1024x512xf32> -> vector<1024x512xf32>
    %mul3A_125 = arith.mulf %get3A_112, %get3A_112 : vector<1024x64xf32>
    %reduce_sum3A_126 = arith.constant dense<0.000000e+00> : vector<1024xf32>
    %reduce_sum3A_127 = vector.multi_reduction <add>, %mul3A_125, %reduce_sum3A_126 [1] : vector<1024x64xf32> to vector<1024xf32>
    %broadcast_in_dim3A_128 = vector.shape_cast %reduce_sum3A_127 : vector<1024xf32> to vector<1024x1xf32>
    %mul3A_129 = arith.constant 2.000000e+00 : f32
    %mul3A_130 = vector.broadcast %mul3A_129 : f32 to vector<1024x512xf32>
    %mul3A_131 = arith.mulf %mul3A_130, %dot_general3A_124 : vector<1024x512xf32>
    %sub3A_132 = vector.broadcast %broadcast_in_dim3A_128 : vector<1024x1xf32> to vector<1024x512xf32>
    %sub3A_133 = arith.subf %sub3A_132, %mul3A_131 : vector<1024x512xf32>
    %broadcast_in_dim3A_134 = vector.shape_cast %reduce_sum3A_122 : vector<512xf32> to vector<1x512xf32>
    %add3A_135 = vector.broadcast %broadcast_in_dim3A_134 : vector<1x512xf32> to vector<1024x512xf32>
    %add3A_136 = arith.addf %sub3A_133, %add3A_135 : vector<1024x512xf32>
    %reduce_min3A_137 = arith.constant dense<0x7F800000> : vector<1024xf32>
    %reduce_min3A_138 = vector.multi_reduction <minimumf>, %add3A_136, %reduce_min3A_137 [1] : vector<1024x512xf32> to vector<1024xf32>
    %broadcast_in_dim3A_139 = vector.shape_cast %reduce_min3A_138 : vector<1024xf32> to vector<1024x1xf32>
    %le3A_140 = vector.broadcast %broadcast_in_dim3A_139 : vector<1024x1xf32> to vector<1024x512xf32>
    %le3A_141 = arith.cmpf ole, %add3A_136, %le3A_140 : vector<1024x512xf32>
    %jit3A_142 = arith.constant 5.120000e+02 : f32
    %broadcast_in_dim3A_143 = vector.broadcast %jit3A_142 : f32 to vector<1024x512xf32>
    %select_n3A_144 = arith.select %le3A_141, %convert_element_type3A, %broadcast_in_dim3A_143 : vector<1024x512xi1>, vector<1024x512xf32>
    %reduce_min3A_145 = arith.constant dense<0x7F800000> : vector<1024xf32>
    %reduce_min3A_146 = vector.multi_reduction <minimumf>, %select_n3A_144, %reduce_min3A_145 [1] : vector<1024x512xf32> to vector<1024xf32>
    %broadcast_in_dim3A_147 = vector.shape_cast %reduce_min3A_146 : vector<1024xf32> to vector<1024x1xf32>
    %eq3A_148 = vector.broadcast %broadcast_in_dim3A_147 : vector<1024x1xf32> to vector<1024x512xf32>
    %eq3A_149 = arith.cmpf oeq, %convert_element_type3A, %eq3A_148 : vector<1024x512xf32>
    %convert_element_type3A_150 = arith.extui %eq3A_149 : vector<1024x512xi1> to vector<1024x512xi32>
    %convert_element_type3A_151 = arith.sitofp %convert_element_type3A_150 : vector<1024x512xi32> to vector<1024x512xf32>
    %convert_element_type3A_152 = arith.truncf %convert_element_type3A_151 : vector<1024x512xf32> to vector<1024x512xbf16>
    %convert_element_type3A_153 = arith.truncf %get3A_119 : vector<512x64xf32> to vector<512x64xbf16>
    %convert_element_type3A_154 = arith.extf %convert_element_type3A_153 : vector<512x64xbf16> to vector<512x64xf32>
    %sub3A_155 = arith.subf %get3A_119, %convert_element_type3A_154 : vector<512x64xf32>
    %convert_element_type3A_156 = arith.truncf %sub3A_155 : vector<512x64xf32> to vector<512x64xbf16>
    %concatenate3A_157 = tpu.concatenate %convert_element_type3A_153, %convert_element_type3A_156 in 1 : vector<512x64xbf16>, vector<512x64xbf16> -> vector<512x128xbf16>
    %dot_general3A_158 = arith.constant dense<0.000000e+00> : vector<1024x128xf32>
    %dot_general3A_159 = tpu.matmul %convert_element_type3A_152, %concatenate3A_157, %dot_general3A_158 {dimension_numbers = #tpu.dot_dimension_numbers<[1], [0], [0], [1], [0, 0, 1, 1], [], []>, transpose_lhs_hint = false} : vector<1024x512xbf16>, vector<512x128xbf16>, vector<1024x128xf32> -> vector<1024x128xf32>
    %slice3A_160 = vector.extract_strided_slice %dot_general3A_159 {offsets = [0, 0], sizes = [1024, 64], strides = [1, 1]} : vector<1024x128xf32> to vector<1024x64xf32>
    %slice3A_161 = vector.extract_strided_slice %dot_general3A_159 {offsets = [0, 64], sizes = [1024, 64], strides = [1, 1]} : vector<1024x128xf32> to vector<1024x64xf32>
    %add3A_162 = arith.addf %slice3A_160, %slice3A_161 : vector<1024x64xf32>
    %add3A_163 = arith.addf %broadcast_in_dim3A_114, %add3A_162 : vector<1024x64xf32>
    %sub3A_164 = arith.subf %add3A_162, %get3A_112 : vector<1024x64xf32>
    %integer_pow3A_165 = arith.mulf %sub3A_164, %sub3A_164 : vector<1024x64xf32>
    %reduce_sum3A_166 = vector.shape_cast %integer_pow3A_165 : vector<1024x64xf32> to vector<1x1024x64xf32>
    %reduce_sum3A_167 = arith.constant dense<0.000000e+00> : vector<1xf32>
    %reduce_sum3A_168 = vector.multi_reduction <add>, %reduce_sum3A_166, %reduce_sum3A_167 [1, 2] : vector<1x1024x64xf32> to vector<1xf32>
    %reduce_sum3A_169 = vector.shape_cast %reduce_sum3A_168 : vector<1xf32> to vector<1x1x1xf32>
    %reduce_sum3A_170 = vector.extract %reduce_sum3A_169[0, 0, 0] : f32 from vector<1x1x1xf32>
    %add3A_171 = arith.constant 0.000000e+00 : f32
    %add3A_172 = arith.addf %add3A_171, %reduce_sum3A_170 : f32
    %sub3A_173 = arith.subf %get3A_112, %add3A_162 : vector<1024x64xf32>
    %get3A_174 = arith.constant 1 : index
    %get3A_175 = arith.constant 0 : index
    %get3A_176 = arith.constant 0 : index
    %get3A_177 = vector.load %arg2[%get3A_174, %get3A_175, %get3A_176] : memref<2x512x64xf32, #tpu.memory_space<vmem>>, vector<1x512x64xf32>
    %get3A_178 = vector.shape_cast %get3A_177 : vector<1x512x64xf32> to vector<512x64xf32>
    %mul3A_179 = arith.mulf %get3A_178, %get3A_178 : vector<512x64xf32>
    %reduce_sum3A_180 = arith.constant dense<0.000000e+00> : vector<512xf32>
    %reduce_sum3A_181 = vector.multi_reduction <add>, %mul3A_179, %reduce_sum3A_180 [1] : vector<512x64xf32> to vector<512xf32>
    %dot_general3A_182 = arith.constant dense<0.000000e+00> : vector<1024x512xf32>
    %dot_general3A_183 = tpu.matmul %sub3A_173, %get3A_178, %dot_general3A_182 {dimension_numbers = #tpu.dot_dimension_numbers<[1], [1], [0], [0], [0, 0, 1, 0], [], []>, transpose_lhs_hint = false} : vector<1024x64xf32>, vector<512x64xf32>, vector<1024x512xf32> -> vector<1024x512xf32>
    %mul3A_184 = arith.mulf %sub3A_173, %sub3A_173 : vector<1024x64xf32>
    %reduce_sum3A_185 = arith.constant dense<0.000000e+00> : vector<1024xf32>
    %reduce_sum3A_186 = vector.multi_reduction <add>, %mul3A_184, %reduce_sum3A_185 [1] : vector<1024x64xf32> to vector<1024xf32>
    %broadcast_in_dim3A_187 = vector.shape_cast %reduce_sum3A_186 : vector<1024xf32> to vector<1024x1xf32>
    %mul3A_188 = arith.constant 2.000000e+00 : f32
    %mul3A_189 = vector.broadcast %mul3A_188 : f32 to vector<1024x512xf32>
    %mul3A_190 = arith.mulf %mul3A_189, %dot_general3A_183 : vector<1024x512xf32>
    %sub3A_191 = vector.broadcast %broadcast_in_dim3A_187 : vector<1024x1xf32> to vector<1024x512xf32>
    %sub3A_192 = arith.subf %sub3A_191, %mul3A_190 : vector<1024x512xf32>
    %broadcast_in_dim3A_193 = vector.shape_cast %reduce_sum3A_181 : vector<512xf32> to vector<1x512xf32>
    %add3A_194 = vector.broadcast %broadcast_in_dim3A_193 : vector<1x512xf32> to vector<1024x512xf32>
    %add3A_195 = arith.addf %sub3A_192, %add3A_194 : vector<1024x512xf32>
    %reduce_min3A_196 = arith.constant dense<0x7F800000> : vector<1024xf32>
    %reduce_min3A_197 = vector.multi_reduction <minimumf>, %add3A_195, %reduce_min3A_196 [1] : vector<1024x512xf32> to vector<1024xf32>
    %broadcast_in_dim3A_198 = vector.shape_cast %reduce_min3A_197 : vector<1024xf32> to vector<1024x1xf32>
    %le3A_199 = vector.broadcast %broadcast_in_dim3A_198 : vector<1024x1xf32> to vector<1024x512xf32>
    %le3A_200 = arith.cmpf ole, %add3A_195, %le3A_199 : vector<1024x512xf32>
    %jit3A_201 = arith.constant 5.120000e+02 : f32
    %broadcast_in_dim3A_202 = vector.broadcast %jit3A_201 : f32 to vector<1024x512xf32>
    %select_n3A_203 = arith.select %le3A_200, %convert_element_type3A, %broadcast_in_dim3A_202 : vector<1024x512xi1>, vector<1024x512xf32>
    %reduce_min3A_204 = arith.constant dense<0x7F800000> : vector<1024xf32>
    %reduce_min3A_205 = vector.multi_reduction <minimumf>, %select_n3A_203, %reduce_min3A_204 [1] : vector<1024x512xf32> to vector<1024xf32>
    %broadcast_in_dim3A_206 = vector.shape_cast %reduce_min3A_205 : vector<1024xf32> to vector<1024x1xf32>
    %eq3A_207 = vector.broadcast %broadcast_in_dim3A_206 : vector<1024x1xf32> to vector<1024x512xf32>
    %eq3A_208 = arith.cmpf oeq, %convert_element_type3A, %eq3A_207 : vector<1024x512xf32>
    %convert_element_type3A_209 = arith.extui %eq3A_208 : vector<1024x512xi1> to vector<1024x512xi32>
    %convert_element_type3A_210 = arith.sitofp %convert_element_type3A_209 : vector<1024x512xi32> to vector<1024x512xf32>
    %convert_element_type3A_211 = arith.truncf %convert_element_type3A_210 : vector<1024x512xf32> to vector<1024x512xbf16>
    %convert_element_type3A_212 = arith.truncf %get3A_178 : vector<512x64xf32> to vector<512x64xbf16>
    %convert_element_type3A_213 = arith.extf %convert_element_type3A_212 : vector<512x64xbf16> to vector<512x64xf32>
    %sub3A_214 = arith.subf %get3A_178, %convert_element_type3A_213 : vector<512x64xf32>
    %convert_element_type3A_215 = arith.truncf %sub3A_214 : vector<512x64xf32> to vector<512x64xbf16>
    %concatenate3A_216 = tpu.concatenate %convert_element_type3A_212, %convert_element_type3A_215 in 1 : vector<512x64xbf16>, vector<512x64xbf16> -> vector<512x128xbf16>
    %dot_general3A_217 = arith.constant dense<0.000000e+00> : vector<1024x128xf32>
    %dot_general3A_218 = tpu.matmul %convert_element_type3A_211, %concatenate3A_216, %dot_general3A_217 {dimension_numbers = #tpu.dot_dimension_numbers<[1], [0], [0], [1], [0, 0, 1, 1], [], []>, transpose_lhs_hint = false} : vector<1024x512xbf16>, vector<512x128xbf16>, vector<1024x128xf32> -> vector<1024x128xf32>
    %slice3A_219 = vector.extract_strided_slice %dot_general3A_218 {offsets = [0, 0], sizes = [1024, 64], strides = [1, 1]} : vector<1024x128xf32> to vector<1024x64xf32>
    %slice3A_220 = vector.extract_strided_slice %dot_general3A_218 {offsets = [0, 64], sizes = [1024, 64], strides = [1, 1]} : vector<1024x128xf32> to vector<1024x64xf32>
    %add3A_221 = arith.addf %slice3A_219, %slice3A_220 : vector<1024x64xf32>
    %add3A_222 = arith.addf %add3A_163, %add3A_221 : vector<1024x64xf32>
    %sub3A_223 = arith.subf %add3A_221, %sub3A_173 : vector<1024x64xf32>
    %integer_pow3A_224 = arith.mulf %sub3A_223, %sub3A_223 : vector<1024x64xf32>
    %reduce_sum3A_225 = vector.shape_cast %integer_pow3A_224 : vector<1024x64xf32> to vector<1x1024x64xf32>
    %reduce_sum3A_226 = arith.constant dense<0.000000e+00> : vector<1xf32>
    %reduce_sum3A_227 = vector.multi_reduction <add>, %reduce_sum3A_225, %reduce_sum3A_226 [1, 2] : vector<1x1024x64xf32> to vector<1xf32>
    %reduce_sum3A_228 = vector.shape_cast %reduce_sum3A_227 : vector<1xf32> to vector<1x1x1xf32>
    %reduce_sum3A_229 = vector.extract %reduce_sum3A_228[0, 0, 0] : f32 from vector<1x1x1xf32>
    %add3A_230 = arith.addf %add3A_172, %reduce_sum3A_229 : f32
    %swap3A_231 = arith.constant 1024 : index
    %swap3A_232 = arith.constant 0 : index
    %swap3A_233 = vector.load %arg3[%swap3A_231, %swap3A_232] : memref<2048x64xf32, #tpu.memory_space<vmem>>, vector<1024x64xf32>
    tpu.vector_store %arg3[%swap3A_231, %swap3A_232], %add3A_222 {strides = array<i32>} : memref<2048x64xf32, #tpu.memory_space<vmem>>, vector<1024x64xf32>,
    %add3A_234 = arith.addf %add3A_109, %add3A_230 : f32
    %reshape3A = vector.broadcast %add3A_234 : f32 to vector<1x1x1xf32>
    %swap3A_235 = arith.constant 0 : index
    %swap3A_236 = arith.constant 0 : index
    %swap3A_237 = arith.constant 0 : index
    %swap3A_238 = vector.load %arg4[%swap3A_235, %swap3A_236, %swap3A_237] : memref<1x1x1xf32, #tpu.memory_space<vmem>>, vector<1x1x1xf32>
    tpu.vector_store %arg4[%swap3A_235, %swap3A_236, %swap3A_237], %reshape3A {strides = array<i32>} : memref<1x1x1xf32, #tpu.memory_space<vmem>>, vector<1x1x1xf32>,
    return
  }
  func.func @transform_0(%arg0: i32) -> (i32, i32) {
    %c0_i32 = arith.constant 0 : i32
    %c0_i32_0 = arith.constant 0 : i32
    return %arg0, %c0_i32 : i32, i32
  }
  func.func @transform_1(%arg0: i32) -> (i32, i32, i32) {
    %c0_i32 = arith.constant 0 : i32
    %c0_i32_0 = arith.constant 0 : i32
    %c0_i32_1 = arith.constant 0 : i32
    %c0_i32_2 = arith.constant 0 : i32
    return %c0_i32, %c0_i32_0, %c0_i32_1 : i32, i32, i32
  }
  func.func @transform_2(%arg0: i32) -> (i32, i32) {
    %c0_i32 = arith.constant 0 : i32
    %c0_i32_0 = arith.constant 0 : i32
    return %arg0, %c0_i32 : i32, i32
  }
  func.func @transform_3(%arg0: i32) -> (i32, i32, i32) {
    %c0_i32 = arith.constant 0 : i32
    %c0_i32_0 = arith.constant 0 : i32
    %c0_i32_1 = arith.constant 0 : i32
    return %arg0, %c0_i32, %c0_i32_0 : i32, i32, i32
  }
}

</mosaic_0001>

<sc_bundles>
// kernel: sparse-core-data-format-call.cloned.1.call-start
scs
called_computation_lowered:
.L_overlay_start_0:
0x0: {  	s2 =	sld [smem:$0x3FD9]  }
0x1: {  	s3 =	sld [smem:$0x3FFE];
	_ =	sdelay $0x1  }
0x2: {  	s1 =	srdreg.scid  }
0x3: {  	s0 =	sand.u32 $0x1, s1  }
0x4: {  	s15 =	sshll.u32 s0, $0xA;
	s2 =	sadd.s32 s3, s2  }
0x5: {  	s2 =	sadd.s32 s2, s15  }
0x6: {  	[smem:$0x3FC6] =	sst s2  }
0x7: {  	_ = 	snop  }
0x8: {  	s2 =	sld [smem:$0x3FD0];
	_ =	sdelay $0x2  }
0x9: {  	s16 =	simm.s32 $0xA;
	s4 =	simm.s32 $0x10  }
0xa: {  	[smem:s4], [sflag:s16] =	dma.local [hbm:s2], $0x1  }
0xb: {  	_ =	swait.eq [sflag:s16], $0x1  }
0xc: {  	[sflag:s16] =	ssyncset.done $0x0  }
0xd: {  	[sflag:s16] =	ssyncadd.s32 $0xFFFFFFFF  }
0xe: {  	s17 =	sld [smem:$0x10];
	(tm) =	ssettm $0x1  }
0xf: {  	s18 =	sld [smem:$0x3FFB];
	_ =	sdelay $0x3  }
0x10: {  	_ =	strace s18  }
0x11: {  	s3 =	sld [smem:$0x3FFC];
	_ =	sdelay $0x3  }
0x12: {  	_ =	strace s3  }
0x13: {  	s3 =	sld [smem:$0x3FFD];
	_ =	sdelay $0x3  }
0x14: {  	_ =	strace s3  }
0x15: {  	_ =	strace $0x8FFFFFFF  }
0x16: {  	s19 =	sld [smem:$0x3FDB];
	_ =	sdelay $0x1  }
0x17: {  	s20 =	simm.s32 $_scs_section_size  }
0x18: {  	s5 =	simm.s32 $_size__tile_overlayer_lowered;
	s6 =	simm.s32 $_tile_overlayer_lowered  }
0x19: {  	s23 =	simm.s32 $0x1BFF;
	s22 =	sshll.u32 s6, $0x1;
	s3 =	sadd.s32 s20, s19  }
0x1a: {  	s7 =	simm.s32 $0x0;
	s21 =	sshll.u32 s5, $0x1;
	s5 =	sadd.s32 s22, s3  }
0x1b: {  	[timem:s7], [sflag:s23] =	dma.local [hbm:s5], s21  }
0x1c: {  	_ =	swait.ge [sflag:s23], s21  }
0x1d: {  	s4 =	ssub.s32 $0x0, s21;
	[sflag:s23] =	ssyncset.done $0x0  }
0x1e: {  	[sflag:s23] =	ssyncadd.s32 s4;
	_ =	sdelay $0x1  }
0x1f: {  	s24 =	simm.s32 $0x1B8B  }
0x20: {  	_ =	swait.ge [sflag:s24], $0x1  }
0x21: {  	[sflag:s24] =	ssyncset.done $0x0  }
0x22: {  	s26 =	simm.s32 $0x1B8E;
	s25 =	sld [smem:$0x3FFE];
	[sflag:s24] =	ssyncadd.s32 $0xFFFFFFFF  }
0x23: {  	s27 =	simm.s32 $execute0_lowered;
	[smem:$0x3FD2] =	sst s26  }
0x24: {  	s5 =	sshll.u32 s27, $0x1;
	_ =	strace $0x80000046;
	[dreg:$0x1] =	wrdreg $0xFFFFFFFF  }
0x25: {  	s28 =	simm.s32 $_size_execute0_lowered;
	s3 =	sadd.s32 s3, s5;
	[dreg:$0x0] =	wrdreg $0x0  }
0x26: {  	s5 =	sshll.u32 s28, $0x1;
	[dreg:$0x2] =	wrdreg s3  }
0x27: {  	[dreg:$0x3] =	wrdreg s5  }
0x28: {  	[dreg:$0x4] =	wrdreg $0xC0  }
0x29: {  	_ =	task [dreg:s7], $0x5FFFF  }
0x2a: {  	[dreg:$0x1] =	wrdreg $0xFFFFFFFF  }
0x2b: {  	[dreg:$0x0] =	wrdreg $0x60  }
0x2c: {  	[dreg:$0x2] =	wrdreg s25  }
0x2d: {  	[dreg:$0x3] =	wrdreg s17  }
0x2e: {  	[dreg:$0x4] =	wrdreg $0x9  }
0x2f: {  	_ =	task.clear_ibuf [dreg:s7], $0x5FFFF;
	_ =	strace $0x90000046  }
0x30: {  	s29 =	simm.s32 $0x9;
	_ =	strace $0x80000048  }
0x31: {  	_ =	swait.ge [sflag:s29], $0x1  }
0x32: {  	[sflag:s29] =	ssyncadd.s32 $0xFFFFFFFF  }
0x33: {  	_ =	strace $0x90000048  }
0x34: {  	_ =	sfence  }
0x35: {  	s30 =	sld [smem:$0x0];
	_ =	sdelay $0x2  }
0x36: {  	s31 =	sshll.u32 s1, $0xD;
	s1 =	sshrl.u32 s1, $0x2  }
0x37: {  	s3 =	sand.u32 $0x4000, s31;
	s1 =	sadd.s32 s1, s30  }
0x38: {  	s0 =	sor.u32 s3, s0;
	s1 =	sshll.u32 s1, $0x11  }
0x39: {  	s0 =	sor.u32 s1, s0  }
0x3a: {  	s0 =	sadd.s32 $0x8F2B, s0  }
0x3b: {  	[sflag:s0] =	ssyncadd.remote.s32 $0x1  }
0x3c: {  	_ =	sfence.sel $0xFFFF  }
0x3d: {  	[dreg:$0x0] =	wrdreg $0xFFFFFFFF;
	(pc) =	sbr.abs _section_cstart, $3  }
0x3e: {  	[dreg:$0x1] =	wrdreg $0xFFFFFFFF  }
0x3f: {  	_ =	task.clear_ibuf [dreg:s7], $0x2FFFF;
	_ =	strace $0x9FFFFFFF  }
0x40: {  	(tm) =	ssettm $0x7FFFFFFF  }
0x41: {  	_ =	shalt  }
tec
execute0_lowered:
.L_overlay_start_1:
0x0: {  	(tag) =	ssettag $0x1  }
0x1: {  	s8 =	rddreg [dreg:$0x0]  }
0x2: {  	s0 =	stileid.u32;
	s1 =	srdreg.scid  }
0x3: {  	s2 =	rddreg [dreg:$0x1];
	s31 =	simm.s32 $0x2;
	s14 =	simm.s32 $0x0  }
0x4: {  	s15 =	simm.s32 $0x0;
	s13 =	simm.s32 $0x0;
	s3 =	sshll.u32 s0, $0x1  }
0x5: {  	s4 =	sshll.u32 s0, $0x5;
	s1 =	sshll.u32 s1, $0x9;
	s3 =	sand.u32 $0x6, s3  }
0x6: {  	s4 =	sor.u32 s4, s1;
	s1 =	rddreg [dreg:$0x2];
	_ =	strace $0x80000047  }
0x7: {  	s4 =	sand.u32 $0x380, s4;
	s5 =	ssub.s32 $0x8, s3;
	s12 =	smov.u32 s3  }
0x8: {  	s6 =	sand.u32 $0x6, s5;
	s7 =	ssub.s32 $0x4000, s4;
	s10 =	sshrl.u32 s5, $0x3  }
0x9: {  	p0 =	sne.s32 s6, $0x0;
	s6 =	simm.s32 $0x1;
	s9 =	sand.u32 $0x380, s7  }
0xa: {  	s6 =	simm.s32 @!p0 $0x0;
	p0 =	sne.s32 s9, $0x0;
	s9 =	simm.s32 $0x1  }
.Ltmp0:
0xb: {  	s7 =	sshrl.u32 s7, $0xA;
	s9 =	simm.s32 @!p0 $0x0;
	(pc) =	sbr.rel .LBB1_1-.Ltmp0, $4  }
0xc: {  	s5 =	simm.s32 $0x1;
	s6 =	sadd.s32 s6, s10;
	s7 =	sadd.s32 s9, s7  }
0xd: {  	s11 =	smov.u32 s4;
	[sflag:s5] =	ssyncpa.u1 $0x0;
	s6 =	smul.u32 s6, s7  }
0xe: {  	[sflag:s31] =	ssyncpa.u1 $0x0;
	p0 =	por $0x0, $0x0;
	s10 =	simm.s32 $0x20000  }
0xf: {  	s7 =	sadd.s32 $0x200200, s8;
	s8 =	sadd.s32 $0x240200, s8;
	s9 =	sadd.s32 $0x1, s6  }
.LBB1_7:
0x10: {  	s16 =	sadd.s32 $0x400, s11  }
0x11: {  	s14 =	sadd.s32 $0x8, s12;
	s18 =	smov.u32 s12;
	p2 =	sgt.s32 s16, $0x3FFF  }
0x12: {  	s18 =	smov.u32 @p2 s14  }
0x13: {  	s16 =	smov.u32 @p2 s4;
	p2 =	sgt.s32 s18, $0x7  }
0x14: {  	s18 =	smov.u32 @p2 s3;
	p2 =	sne.s32 s13, s9  }
.Ltmp1:
0x15: {  	p1 =	slt.u32 s13, $0x2;
	(pc) =	sbr.rel @!p2 .LBB1_8-.Ltmp1, $4  }
0x16: {  	s17 =	simm.s32 @!p1 $0x2  }
0x17: {  	s15 =	smov.u32 s12;
	p0 =	por !p0, !p0;
	_ =	swait.ge @!p1 [sflag:s17], $0x4000  }
0x18: {  	s14 =	smov.u32 s11;
	[sflag:s17] =	ssyncset.done @!p1 $0x0;
	s11 =	smov.u32 s16  }
0x19: {  	s13 =	sadd.s32 $0x1, s13;
	[sflag:s17] =	ssyncadd.s32 @!p1 $0xFFFFC000;
	s12 =	smov.u32 s18  }
.LBB1_1:
0x1a: {  	p1 =	sge.u32 s13, s6  }
0x1b: {  	s16 =	sxor.u32 @!p1 $0xFFFFFFFF, s13;
	s17 =	sshll.u32 @!p1 s12, $0x12  }
0x1c: {  	s18 =	sshll.u32 @!p1 s11, $0x4;
	s20 =	simm.s32 @!p1 $0x40;
	s21 =	simm.s32 @!p1 $0x80  }
0x1d: {  	s16 =	sshll.u32 @!p1 s16, $0xE;
	s18 =	sand.u32 @!p1 $0x3FFF0, s18;
	s19 =	sadd.s32 @!p1 s7, s17  }
0x1e: {  	s17 =	sadd.s32 @!p1 s17, s8;
	s16 =	sand.u32 @!p1 $0x4000, s16;
	s19 =	sadd.s32 @!p1 s18, s19  }
0x1f: {  	[tilespmem:s16], [sflag:$0x1] =	stream.strided.gather @!p1 [hbm4b:s19+s20], $0x2000, s21, s20, $0x38;
	[tilespmem:$0x10100] =	vst v63  }
0x20: {  	s31 =	sadd.s32 $0xFFFFFFFF, s13;
	s17 =	sadd.s32 @!p1 s18, s17;
	s16 =	sor.u32 @!p1 $0x2000, s16  }
0x21: {  	[tilespmem:s16], [sflag:$0x1] =	stream.strided.gather @!p1 [hbm4b:s17+s20], $0x2000, s21, s20, $0x38;
	[tilespmem:$0x10100] =	vst v63  }
0x22: {  	p1 =	sge.u32 s31, s6  }
.Ltmp2:
0x23: {  	_ = 	snop;
	(pc) =	sbr.rel @p1 .LBB1_7-.Ltmp2, $1  }
0x24: {  	_ =	sdelay $0x3  }
0x25: {  	s16 =	simm.s32 $0x1;
	s18 =	sand.u32 $0x1, s13  }
0x26: {  	_ =	swait.ge [sflag:s5], $0x4000;
	s16 =	simm.s32 @!p0 $0x0;
	s18 =	smul.u32 $0x10200, s18  }
0x27: {  	p2 =	por $0x1, $0x1;
	[sflag:s5] =	ssyncset.done $0x0;
	s17 =	smul.u32 $0x10200, s16  }
0x28: {  	s19 =	sshll.u32 s16, $0x10;
	[sflag:s5] =	ssyncadd.s32 $0xFFFFC000;
	s30 =	sshrl.u32 s18, $0x2  }
0x29: {  	s31 =	sshrl.u32 s19, $0x2;
	s19 =	simm.s32 $0x0;
	s17 =	sshrl.u32 s17, $0x2  }
0x2a: {  	s16 =	sor.u32 $0x8000, s30;
	s18 =	sadd.s32 $0x20, s31;
	s17 =	sor.u32 $0x8000, s17  }
.LBB1_3:
0x2b: {  	s20 =	sshll.u32 s19, $0xD  }
0x2c: {  	s20 =	sand.u32 $0x3FFFE000, s20  }
0x2d: {  	s22 =	sadd.s32 s20, s18  }
0x2e: {  	s31 =	smul.u32 $0x8100, s19;
	v3 =	vld [tilespmem:s22+$0x10]  }
0x2f: {  	v1 =	vld [tilespmem:s22+$0xFFFFFFF0]  }
0x30: {  	s19 =	sshra.s32 s31, $0x2;
	v0 =	vld [tilespmem:s22+$0x0]  }
0x31: {  	s19 =	sadd.s32 s19, s17;
	v2 =	vld [tilespmem:s22+$0xFFFFFFE0]  }
0x32: {  	s20 =	sadd.s32 $0x0, s19  }
0x33: {  	p1 =	por p2, p2;
	s21 =	simm.s32 $0x4;
	s22 =	sadd.s32 $0x40, s22;
	[tilespmem:s20+$0x1830 ss:$0x81] =	vst.msk $0xffff, v3  }
.LBB1_4:
0x34: {  	v3 =	vld [tilespmem:s22+$0x10];
	p2 =	sne.s32 s21, $0x1FC;
	[tilespmem:s20+$0x810 ss:$0x81] =	vst.msk $0xffff, v1;
	s23 =	smov.u32 s21;
	s21 =	sadd.s32 $0x4, s21  }
.Ltmp3:
0x35: {  	v1 =	vld [tilespmem:s22+$0xFFFFFFF0];
	[tilespmem:s20+$0x1020 ss:$0x81] =	vst.msk $0xffff, v0;
	(pc) =	sbr.rel @p2 .LBB1_4-.Ltmp3, $4  }
0x36: {  	v0 =	vld [tilespmem:s22+$0x0];
	[tilespmem:s20+$0x0 ss:$0x81] =	vst.msk $0xffff, v2  }
0x37: {  	s20 =	sshra.s32 s23, $0x2;
	v2 =	vld [tilespmem:s22+$0xFFFFFFE0]  }
0x38: {  	s20 =	sadd.s32 s20, s19  }
0x39: {  	s22 =	sadd.s32 $0x40, s22;
	[tilespmem:s20+$0x1830 ss:$0x81] =	vst.msk $0xffff, v3  }
.Ltmp4:
0x3a: {  	(pc) =	sbr.rel @p1 .LBB1_3-.Ltmp4, $4  }
0x3b: {  	_ = 	snop  }
0x3c: {  	[tilespmem:s20+$0x810 ss:$0x81] =	vst.msk $0xffff, v1  }
0x3d: {  	[tilespmem:s20+$0x1020 ss:$0x81] =	vst.msk $0xffff, v0  }
0x3e: {  	s19 =	simm.s32 $0x1;
	p2 =	por $0x0, $0x0;
	[tilespmem:s20+$0x0 ss:$0x81] =	vst.msk $0xffff, v2  }
0x3f: {  	s17 =	sshll.u32 s14, $0x3;
	s18 =	sand.u32 $0x78, s14;
	s15 =	sshll.u32 s15, $0x11  }
.Ltmp5:
0x40: {  	s30 =	sand.u32 $0x1F800, s14;
	s17 =	sand.u32 $0x3C00, s17;
	(pc) =	sbr.rel .LBB1_7-.Ltmp5, $4  }
0x41: {  	s31 =	sand.u32 $0x7, s14;
	s15 =	sadd.s32 s2, s15;
	s17 =	sor.u32 s18, s17  }
0x42: {  	s14 =	sshll.u32 s31, $0x12;
	s15 =	sadd.s32 s30, s15;
	s17 =	sshrl.u32 s17, $0x3  }
0x43: {  	s14 =	sor.u32 $0x400, s14;
	s15 =	sadd.s32 s17, s15  }
0x44: {  	[hbm4b:s15+s14] =	stream.strided.scatter [tilespmem:s16], [sflag:$0x2], $0x4000, s10, s14, $0x20;
	[tilespmem:$0x10100] =	vst v63  }
.LBB1_8:
0x45: {  	_ =	sfence.sel $0x180000  }
0x46: {  	s2 =	simm.s32 $0x1;
	[bflag:$0x0] =	sbarrier.arrive $0xFFFF  }
0x47: {  	s31 =	simm.s32 $0x2;
	[sflag:s2] =	ssyncpa.u1 $0x1  }
0x48: {  	[sflag:s31] =	ssyncpa.u1 $0x1  }
0x49: {  	p0 =	sne.s32 s0, $0x0;
	_ =	strace $0x90000047  }
0x4a: {  	s0 =	sadd.s32 @!p0 $0x100000, s1;
	[bflag:$0x2] =	sbarrier.arrive $0xFFFF  }
0x4b: {  	[sflag:s0] =	ssyncadd.tile.s32 @!p0 $0x1;
	_ =	shalt  }
.Lfunc_end1:
_tile_overlayer_lowered:
.L_overlay_start_2:
0x4c: {  	(tag) =	ssettag $0x2  }
0x4d: {  	s0 =	rddreg [dreg:$0x0];
	s2 =	stileid.u32  }
0x4e: {  	s1 =	rddreg [dreg:$0x1];
	p0 =	sne.s32 s2, $0x0  }
0x4f: {  	s3 =	rddreg [dreg:$0x2];
	[bflag:$0x3] =	sbarrier.arrive $0xFFFF;
	s2 =	simm.s32 @!p0 $0x1C01  }
0x50: {  	[timem:s3], [sflag:s2] =	dma.local @!p0 [hbm:s0], s1  }
0x51: {  	s0 =	simm.s32 @!p0 $0x1  }
0x52: {  	_ =	swait.ge @!p0 [sflag:s0], s1  }
0x53: {  	s1 =	ssub.s32 @!p0 $0x0, s1;
	[sflag:s0] =	ssyncset.done @!p0 $0x0  }
0x54: {  	[sflag:s0] =	ssyncadd.s32 @!p0 s1  }
0x55: {  	[bflag:$0x3] =	sbarrier.arrive $0xFFFF  }
0x56: {  	_ =	shalt  }

</sc_bundles>
